<compile_context>
chip_gen: v7x
topology: tpu7x:2x2x1
jax: 0.10.2.dev20260603
libtpu: 0.0.44.dev20260713+nightly
codegen_flags: <defaults>
</compile_context>

<pallas_src>
import functools

import jax
import jax.numpy as jnp
from jax import lax
from jax.experimental import pallas as pl
from jax.experimental.pallas import tpu as pltpu
from jax.experimental.pallas import tpu_sc as plsc

BATCH = 4096
VOCAB = 1000000
SEQ = 200
DIM = 64
NUM_CLASSES = 10

NC = 2
NS = 16
NW = NC * NS
ROWS_PER_W = BATCH // NW
CHUNK = 50
CPS = SEQ // CHUNK
UNROLL = 8


def _pooled_mean(x2d, emb):
    mesh = plsc.VectorSubcoreMesh(core_axis_name="c", subcore_axis_name="s")

    @functools.partial(
        pl.kernel,
        out_type=jax.ShapeDtypeStruct((BATCH, DIM), jnp.float32),
        mesh=mesh,
        scratch_types=[
            pltpu.VMEM((CPS * ROWS_PER_W, CHUNK), jnp.int32),
            pltpu.VMEM((SEQ, 2 * DIM), jnp.float32),
            pltpu.VMEM((ROWS_PER_W, DIM), jnp.float32),
            pltpu.SemaphoreType.DMA,
        ],
    )
    def k(x_hbm, emb_hbm, out_hbm, idx_v, rows_v, out_v, sem):
        cid = lax.axis_index("c")
        sid = lax.axis_index("s")
        wid = sid * NC + cid

        pltpu.sync_copy(
            x_hbm.at[pl.ds(wid * (CPS * ROWS_PER_W), CPS * ROWS_PER_W)], idx_v
        )

        def seg_body(s, carry):
            hs = []
            for j in range(CPS):
                hs.append(pltpu.async_copy(
                    emb_hbm.at[idx_v.at[CPS * s + j]],
                    rows_v.at[pl.ds(j * CHUNK, CHUNK)],
                    sem,
                ))
            for h in hs:
                h.wait()

            def red(i, acc):
                accs = list(acc)
                for r in range(UNROLL):
                    row = i * UNROLL + r
                    for q in range(DIM // 16):
                        accs[q] = accs[q] + rows_v[row, pl.ds(q * 16, 16)]
                return tuple(accs)

            zero = jnp.zeros((16,), jnp.float32)
            acc = lax.fori_loop(0, SEQ // UNROLL, red, (zero,) * (DIM // 16))
            for q in range(DIM // 16):
                out_v[s, pl.ds(q * 16, 16)] = acc[q] * (1.0 / SEQ)
            return carry

        lax.fori_loop(0, ROWS_PER_W, seg_body, 0)
        pltpu.sync_copy(out_v, out_hbm.at[pl.ds(wid * ROWS_PER_W, ROWS_PER_W)])

    return k(x2d, emb)


def _mlp(pooled, W1, b1, W2, b2):
    def mk(p_ref, w1_ref, b1_ref, w2_ref, b2_ref, o_ref):
        p = p_ref[...]
        h = lax.dot_general(
            p, w1_ref[...], (((1,), (1,)), ((), ())),
            preferred_element_type=jnp.float32,
        ) + b1_ref[...]
        h = jnp.maximum(h, 0.0)
        o_ref[...] = lax.dot_general(
            h, w2_ref[...], (((1,), (1,)), ((), ())),
            preferred_element_type=jnp.float32,
        ) + b2_ref[...]

    return pl.pallas_call(
        mk,
        out_shape=jax.ShapeDtypeStruct((BATCH, NUM_CLASSES), jnp.float32),
    )(pooled, W1, b1.reshape(1, DIM), W2, b2.reshape(1, NUM_CLASSES))


def kernel(x, seq_lens, emb, W1, b1, W2, b2):
    del seq_lens
    x2d = x.reshape(BATCH * CPS, CHUNK) // 2
    pooled = _pooled_mean(x2d, emb.reshape(VOCAB // 2, 2 * DIM))
    return _mlp(pooled, W1, b1, W2, b2)

# --- scband reference (transcript-rebuilt; emitter-appended) ---
"""Pipeline reference for scband-fast-text-model-56762287784229 (READ-ONLY COPY).

The authoritative reference and input builder live on the scoring server;
editing this copy changes nothing except your own understanding.
"""

import jax, jax.numpy as jnp
import numpy as np

BATCH = 4096
SEQ = 200
VOCAB = 1000000
DIM = 64
NUM_CLASSES = 10

def setup_inputs(seed: int = 0) -> dict:
    key = jax.random.key(seed)
    k1, k2, k3, k4, k5, k6, k7 = jax.random.split(key, 7)
    x = jax.random.randint(k1, (BATCH, SEQ), 0, VOCAB, dtype=jnp.int64 if jax.config.jax_enable_x64 else jnp.int32).astype(jnp.int32)
    seq_lens = jax.random.randint(k2, (BATCH,), 0, SEQ, dtype=jnp.int32)
    emb = jax.random.normal(k3, (VOCAB, DIM), dtype=jnp.float32)
    bound1 = 1.0 / np.sqrt(DIM)
    W1 = jax.random.uniform(k4, (DIM, DIM), minval=-bound1, maxval=bound1, dtype=jnp.float32)
    b1 = jax.random.uniform(k5, (DIM,), minval=-bound1, maxval=bound1, dtype=jnp.float32)
    W2 = jax.random.uniform(k6, (NUM_CLASSES, DIM), minval=-bound1, maxval=bound1, dtype=jnp.float32)
    b2 = jax.random.uniform(k7, (NUM_CLASSES,), minval=-bound1, maxval=bound1, dtype=jnp.float32)
    return {"x": x, "seq_lens": seq_lens, "emb": emb, "W1": W1, "b1": b1, "W2": W2, "b2": b2}

def reference(x, seq_lens, emb, W1, b1, W2, b2):
    # embedding lookup (SparseCore gather)
    e = jnp.take(emb, x, axis=0)          # [B, S, D]
    out = e.mean(axis=1)                   # [B, D]
    out = out @ W1.T + b1                  # fc1
    out = jax.nn.relu(out)
    # dropout is identity at inference
    out = out @ W2.T + b2                  # fc2
    return out

if __name__ == "__main__":
    import jax
    _d = setup_inputs()
    print(jax.jit(kernel)(*tuple(_d.values())))

</pallas_src>

<mosaic_0001>
#map = affine_map<(d0, d1) -> (0, 0)>
module attributes {stable_mosaic.version = 14 : i64} {
  func.func @k(%arg0: i32, %arg1: i32, %arg2: memref<16384x50xi32, #tpu.memory_space<hbm>>, %arg3: memref<500000x128xf32, #tpu.memory_space<hbm>>, %arg4: memref<4096x64xf32, #tpu.memory_space<hbm>>, %arg5: memref<512x50xi32, #tpu.memory_space<vmem>>, %arg6: memref<200x128xf32, #tpu.memory_space<vmem>>, %arg7: memref<128x64xf32, #tpu.memory_space<vmem>>, %arg8: memref<!tpu.dma_semaphore, #tpu.memory_space<semaphore_mem>>) attributes {dimension_semantics = [#tpu.dimension_semantics<core_parallel>, #tpu.dimension_semantics<subcore_parallel>], iteration_bounds = array<i64: 2, 16>, scalar_prefetch = 0 : i64, scratch_operands = 4 : i64, tpu.core_type = #tpu.core_type<sc_vector_subcore>, window_params = [{transform_indices = #map}, {transform_indices = #map}, {transform_indices = #map}]} {
    %mul3A = arith.constant 2 : i32
    %mul3A_0 = arith.muli %arg1, %mul3A : i32
    %add3A = arith.addi %mul3A_0, %arg0 : i32
    %mul3A_1 = arith.constant 512 : i32
    %mul3A_2 = arith.muli %add3A, %mul3A_1 : i32
    "tpu.region"() ({
      %run_scoped3A = tpu.sem_alloc : memref<!tpu.dma_semaphore, #tpu.memory_space<semaphore_mem>>
      %dma_start3A = arith.constant 0 : i32
      %dma_start3A_10 = tpu.memref_slice %arg2[%mul3A_2, %dma_start3A] : memref<16384x50xi32, #tpu.memory_space<hbm>> -> memref<512x50xi32, #tpu.memory_space<hbm>>
      %dma_start3A_11 = arith.constant 0 : i32
      %dma_start3A_12 = tpu.memref_slice %arg2[%mul3A_2, %dma_start3A_11] : memref<16384x50xi32, #tpu.memory_space<hbm>> -> memref<512x50xi32, #tpu.memory_space<hbm>>
      tpu.enqueue_dma source(%dma_start3A_12 : memref<512x50xi32, #tpu.memory_space<hbm>>) target(%arg5 : memref<512x50xi32, #tpu.memory_space<vmem>>) target_semaphore(%run_scoped3A : memref<!tpu.dma_semaphore, #tpu.memory_space<semaphore_mem>>)
      %dma_wait3A = arith.constant 0 : i32
      %dma_wait3A_13 = tpu.memref_slice %arg2[%mul3A_2, %dma_wait3A] : memref<16384x50xi32, #tpu.memory_space<hbm>> -> memref<512x50xi32, #tpu.memory_space<hbm>>
      %dma_wait3A_14 = arith.constant 0 : i32
      %dma_wait3A_15 = tpu.memref_slice %arg2[%mul3A_2, %dma_wait3A_14] : memref<16384x50xi32, #tpu.memory_space<hbm>> -> memref<512x50xi32, #tpu.memory_space<hbm>>
      tpu.wait_dma2 semaphore(%run_scoped3A : memref<!tpu.dma_semaphore, #tpu.memory_space<semaphore_mem>>) src(%dma_wait3A_15 : memref<512x50xi32, #tpu.memory_space<hbm>>) dst(%arg5 : memref<512x50xi32, #tpu.memory_space<vmem>>)
      tpu.yield
    }) : () -> ()
    %scan3A = arith.constant 0 : i32
    %scan3A_3 = arith.constant 0 : i32
    %scan3A_4 = arith.constant 128 : i32
    %scan3A_5 = arith.addi %scan3A_3, %scan3A_4 : i32
    %scan3A_6 = arith.constant 1 : i32
    scf.for %scan3A_10 = %scan3A_3 to %scan3A_5 step %scan3A_6  : i32 {
      %mul3A_11 = arith.constant 4 : i32
      %mul3A_12 = arith.muli %mul3A_11, %scan3A_10 : i32
      %add3A_13 = arith.constant 0 : i32
      %add3A_14 = arith.addi %mul3A_12, %add3A_13 : i32
      %dma_start3A = arith.constant 0 : i32
      %dma_start3A_15 = arith.constant 0 : i32
      %dma_start3A_16 = tpu.memref_slice %arg6[%dma_start3A, %dma_start3A_15] : memref<200x128xf32, #tpu.memory_space<vmem>> -> memref<50x128xf32, #tpu.memory_space<vmem>>
      %dma_start3A_17 = arith.constant 0 : i32
      %dma_start3A_18 = tpu.memref_slice %arg5[%add3A_14, %dma_start3A_17] : memref<512x50xi32, #tpu.memory_space<vmem>> -> memref<1x50xi32, #tpu.memory_space<vmem>>
      %dma_start3A_19 = tpu.memref_squeeze %dma_start3A_18 : memref<1x50xi32, #tpu.memory_space<vmem>> -> memref<50xi32, #tpu.memory_space<vmem>>
      %dma_start3A_20 = arith.constant 0 : i32
      %dma_start3A_21 = arith.constant 0 : i32
      %dma_start3A_22 = tpu.memref_slice %arg3[%dma_start3A_20, %dma_start3A_21] : memref<500000x128xf32, #tpu.memory_space<hbm>> -> memref<500000x128xf32, #tpu.memory_space<hbm>>
      tpu.enqueue_indirect_dma source(%dma_start3A_22 : memref<500000x128xf32, #tpu.memory_space<hbm>>) target(%dma_start3A_16 : memref<50x128xf32, #tpu.memory_space<vmem>>) offsets(%dma_start3A_19 : memref<50xi32, #tpu.memory_space<vmem>>) semaphore(%arg8 : memref<!tpu.dma_semaphore, #tpu.memory_space<semaphore_mem>>)
      %mul3A_23 = arith.constant 4 : i32
      %mul3A_24 = arith.muli %mul3A_23, %scan3A_10 : i32
      %add3A_25 = arith.constant 1 : i32
      %add3A_26 = arith.addi %mul3A_24, %add3A_25 : i32
      %dma_start3A_27 = arith.constant 50 : i32
      %dma_start3A_28 = arith.constant 0 : i32
      %dma_start3A_29 = tpu.memref_slice %arg6[%dma_start3A_27, %dma_start3A_28] : memref<200x128xf32, #tpu.memory_space<vmem>> -> memref<50x128xf32, #tpu.memory_space<vmem>>
      %dma_start3A_30 = arith.constant 0 : i32
      %dma_start3A_31 = tpu.memref_slice %arg5[%add3A_26, %dma_start3A_30] : memref<512x50xi32, #tpu.memory_space<vmem>> -> memref<1x50xi32, #tpu.memory_space<vmem>>
      %dma_start3A_32 = tpu.memref_squeeze %dma_start3A_31 : memref<1x50xi32, #tpu.memory_space<vmem>> -> memref<50xi32, #tpu.memory_space<vmem>>
      %dma_start3A_33 = arith.constant 0 : i32
      %dma_start3A_34 = arith.constant 0 : i32
      %dma_start3A_35 = tpu.memref_slice %arg3[%dma_start3A_33, %dma_start3A_34] : memref<500000x128xf32, #tpu.memory_space<hbm>> -> memref<500000x128xf32, #tpu.memory_space<hbm>>
      tpu.enqueue_indirect_dma source(%dma_start3A_35 : memref<500000x128xf32, #tpu.memory_space<hbm>>) target(%dma_start3A_29 : memref<50x128xf32, #tpu.memory_space<vmem>>) offsets(%dma_start3A_32 : memref<50xi32, #tpu.memory_space<vmem>>) semaphore(%arg8 : memref<!tpu.dma_semaphore, #tpu.memory_space<semaphore_mem>>)
      %mul3A_36 = arith.constant 4 : i32
      %mul3A_37 = arith.muli %mul3A_36, %scan3A_10 : i32
      %add3A_38 = arith.constant 2 : i32
      %add3A_39 = arith.addi %mul3A_37, %add3A_38 : i32
      %dma_start3A_40 = arith.constant 100 : i32
      %dma_start3A_41 = arith.constant 0 : i32
      %dma_start3A_42 = tpu.memref_slice %arg6[%dma_start3A_40, %dma_start3A_41] : memref<200x128xf32, #tpu.memory_space<vmem>> -> memref<50x128xf32, #tpu.memory_space<vmem>>
      %dma_start3A_43 = arith.constant 0 : i32
      %dma_start3A_44 = tpu.memref_slice %arg5[%add3A_39, %dma_start3A_43] : memref<512x50xi32, #tpu.memory_space<vmem>> -> memref<1x50xi32, #tpu.memory_space<vmem>>
      %dma_start3A_45 = tpu.memref_squeeze %dma_start3A_44 : memref<1x50xi32, #tpu.memory_space<vmem>> -> memref<50xi32, #tpu.memory_space<vmem>>
      %dma_start3A_46 = arith.constant 0 : i32
      %dma_start3A_47 = arith.constant 0 : i32
      %dma_start3A_48 = tpu.memref_slice %arg3[%dma_start3A_46, %dma_start3A_47] : memref<500000x128xf32, #tpu.memory_space<hbm>> -> memref<500000x128xf32, #tpu.memory_space<hbm>>
      tpu.enqueue_indirect_dma source(%dma_start3A_48 : memref<500000x128xf32, #tpu.memory_space<hbm>>) target(%dma_start3A_42 : memref<50x128xf32, #tpu.memory_space<vmem>>) offsets(%dma_start3A_45 : memref<50xi32, #tpu.memory_space<vmem>>) semaphore(%arg8 : memref<!tpu.dma_semaphore, #tpu.memory_space<semaphore_mem>>)
      %mul3A_49 = arith.constant 4 : i32
      %mul3A_50 = arith.muli %mul3A_49, %scan3A_10 : i32
      %add3A_51 = arith.constant 3 : i32
      %add3A_52 = arith.addi %mul3A_50, %add3A_51 : i32
      %dma_start3A_53 = arith.constant 150 : i32
      %dma_start3A_54 = arith.constant 0 : i32
      %dma_start3A_55 = tpu.memref_slice %arg6[%dma_start3A_53, %dma_start3A_54] : memref<200x128xf32, #tpu.memory_space<vmem>> -> memref<50x128xf32, #tpu.memory_space<vmem>>
      %dma_start3A_56 = arith.constant 0 : i32
      %dma_start3A_57 = tpu.memref_slice %arg5[%add3A_52, %dma_start3A_56] : memref<512x50xi32, #tpu.memory_space<vmem>> -> memref<1x50xi32, #tpu.memory_space<vmem>>
      %dma_start3A_58 = tpu.memref_squeeze %dma_start3A_57 : memref<1x50xi32, #tpu.memory_space<vmem>> -> memref<50xi32, #tpu.memory_space<vmem>>
      %dma_start3A_59 = arith.constant 0 : i32
      %dma_start3A_60 = arith.constant 0 : i32
      %dma_start3A_61 = tpu.memref_slice %arg3[%dma_start3A_59, %dma_start3A_60] : memref<500000x128xf32, #tpu.memory_space<hbm>> -> memref<500000x128xf32, #tpu.memory_space<hbm>>
      tpu.enqueue_indirect_dma source(%dma_start3A_61 : memref<500000x128xf32, #tpu.memory_space<hbm>>) target(%dma_start3A_55 : memref<50x128xf32, #tpu.memory_space<vmem>>) offsets(%dma_start3A_58 : memref<50xi32, #tpu.memory_space<vmem>>) semaphore(%arg8 : memref<!tpu.dma_semaphore, #tpu.memory_space<semaphore_mem>>)
      %dma_wait3A = arith.constant 0 : i32
      %dma_wait3A_62 = arith.constant 0 : i32
      %dma_wait3A_63 = tpu.memref_slice %arg6[%dma_wait3A, %dma_wait3A_62] : memref<200x128xf32, #tpu.memory_space<vmem>> -> memref<50x128xf32, #tpu.memory_space<vmem>>
      %dma_wait3A_64 = arith.constant 0 : i32
      %dma_wait3A_65 = tpu.memref_slice %arg5[%add3A_14, %dma_wait3A_64] : memref<512x50xi32, #tpu.memory_space<vmem>> -> memref<1x50xi32, #tpu.memory_space<vmem>>
      %dma_wait3A_66 = tpu.memref_squeeze %dma_wait3A_65 : memref<1x50xi32, #tpu.memory_space<vmem>> -> memref<50xi32, #tpu.memory_space<vmem>>
      %dma_wait3A_67 = arith.constant 0 : i32
      %dma_wait3A_68 = arith.constant 0 : i32
      %dma_wait3A_69 = tpu.memref_slice %arg3[%dma_wait3A_67, %dma_wait3A_68] : memref<500000x128xf32, #tpu.memory_space<hbm>> -> memref<500000x128xf32, #tpu.memory_space<hbm>>
      tpu.wait_indirect_dma semaphore(%arg8 : memref<!tpu.dma_semaphore, #tpu.memory_space<semaphore_mem>>) src(%dma_wait3A_69 : memref<500000x128xf32, #tpu.memory_space<hbm>>) dst(%dma_wait3A_63 : memref<50x128xf32, #tpu.memory_space<vmem>>)
      %dma_wait3A_70 = arith.constant 50 : i32
      %dma_wait3A_71 = arith.constant 0 : i32
      %dma_wait3A_72 = tpu.memref_slice %arg6[%dma_wait3A_70, %dma_wait3A_71] : memref<200x128xf32, #tpu.memory_space<vmem>> -> memref<50x128xf32, #tpu.memory_space<vmem>>
      %dma_wait3A_73 = arith.constant 0 : i32
      %dma_wait3A_74 = tpu.memref_slice %arg5[%add3A_26, %dma_wait3A_73] : memref<512x50xi32, #tpu.memory_space<vmem>> -> memref<1x50xi32, #tpu.memory_space<vmem>>
      %dma_wait3A_75 = tpu.memref_squeeze %dma_wait3A_74 : memref<1x50xi32, #tpu.memory_space<vmem>> -> memref<50xi32, #tpu.memory_space<vmem>>
      %dma_wait3A_76 = arith.constant 0 : i32
      %dma_wait3A_77 = arith.constant 0 : i32
      %dma_wait3A_78 = tpu.memref_slice %arg3[%dma_wait3A_76, %dma_wait3A_77] : memref<500000x128xf32, #tpu.memory_space<hbm>> -> memref<500000x128xf32, #tpu.memory_space<hbm>>
      tpu.wait_indirect_dma semaphore(%arg8 : memref<!tpu.dma_semaphore, #tpu.memory_space<semaphore_mem>>) src(%dma_wait3A_78 : memref<500000x128xf32, #tpu.memory_space<hbm>>) dst(%dma_wait3A_72 : memref<50x128xf32, #tpu.memory_space<vmem>>)
      %dma_wait3A_79 = arith.constant 100 : i32
      %dma_wait3A_80 = arith.constant 0 : i32
      %dma_wait3A_81 = tpu.memref_slice %arg6[%dma_wait3A_79, %dma_wait3A_80] : memref<200x128xf32, #tpu.memory_space<vmem>> -> memref<50x128xf32, #tpu.memory_space<vmem>>
      %dma_wait3A_82 = arith.constant 0 : i32
      %dma_wait3A_83 = tpu.memref_slice %arg5[%add3A_39, %dma_wait3A_82] : memref<512x50xi32, #tpu.memory_space<vmem>> -> memref<1x50xi32, #tpu.memory_space<vmem>>
      %dma_wait3A_84 = tpu.memref_squeeze %dma_wait3A_83 : memref<1x50xi32, #tpu.memory_space<vmem>> -> memref<50xi32, #tpu.memory_space<vmem>>
      %dma_wait3A_85 = arith.constant 0 : i32
      %dma_wait3A_86 = arith.constant 0 : i32
      %dma_wait3A_87 = tpu.memref_slice %arg3[%dma_wait3A_85, %dma_wait3A_86] : memref<500000x128xf32, #tpu.memory_space<hbm>> -> memref<500000x128xf32, #tpu.memory_space<hbm>>
      tpu.wait_indirect_dma semaphore(%arg8 : memref<!tpu.dma_semaphore, #tpu.memory_space<semaphore_mem>>) src(%dma_wait3A_87 : memref<500000x128xf32, #tpu.memory_space<hbm>>) dst(%dma_wait3A_81 : memref<50x128xf32, #tpu.memory_space<vmem>>)
      %dma_wait3A_88 = arith.constant 150 : i32
      %dma_wait3A_89 = arith.constant 0 : i32
      %dma_wait3A_90 = tpu.memref_slice %arg6[%dma_wait3A_88, %dma_wait3A_89] : memref<200x128xf32, #tpu.memory_space<vmem>> -> memref<50x128xf32, #tpu.memory_space<vmem>>
      %dma_wait3A_91 = arith.constant 0 : i32
      %dma_wait3A_92 = tpu.memref_slice %arg5[%add3A_52, %dma_wait3A_91] : memref<512x50xi32, #tpu.memory_space<vmem>> -> memref<1x50xi32, #tpu.memory_space<vmem>>
      %dma_wait3A_93 = tpu.memref_squeeze %dma_wait3A_92 : memref<1x50xi32, #tpu.memory_space<vmem>> -> memref<50xi32, #tpu.memory_space<vmem>>
      %dma_wait3A_94 = arith.constant 0 : i32
      %dma_wait3A_95 = arith.constant 0 : i32
      %dma_wait3A_96 = tpu.memref_slice %arg3[%dma_wait3A_94, %dma_wait3A_95] : memref<500000x128xf32, #tpu.memory_space<hbm>> -> memref<500000x128xf32, #tpu.memory_space<hbm>>
      tpu.wait_indirect_dma semaphore(%arg8 : memref<!tpu.dma_semaphore, #tpu.memory_space<semaphore_mem>>) src(%dma_wait3A_96 : memref<500000x128xf32, #tpu.memory_space<hbm>>) dst(%dma_wait3A_90 : memref<50x128xf32, #tpu.memory_space<vmem>>)
      %broadcast_in_dim3A = arith.constant 0.000000e+00 : f32
      %broadcast_in_dim3A_97 = vector.broadcast %broadcast_in_dim3A : f32 to vector<16xf32>
      %scan3A_98 = arith.constant 0 : i32
      %scan3A_99 = arith.constant 25 : i32
      %scan3A_100 = arith.addi %scan3A_98, %scan3A_99 : i32
      %scan3A_101 = arith.constant 1 : i32
      %scan3A_102:4 = scf.for %scan3A_135 = %scan3A_98 to %scan3A_100 step %scan3A_101 iter_args(%scan3A_136 = %broadcast_in_dim3A_97, %scan3A_137 = %broadcast_in_dim3A_97, %scan3A_138 = %broadcast_in_dim3A_97, %scan3A_139 = %broadcast_in_dim3A_97) -> (vector<16xf32>, vector<16xf32>, vector<16xf32>, vector<16xf32>)  : i32 {
        %mul3A_140 = arith.constant 8 : i32
        %mul3A_141 = arith.muli %scan3A_135, %mul3A_140 : i32
        %add3A_142 = arith.constant 0 : i32
        %add3A_143 = arith.addi %mul3A_141, %add3A_142 : i32
        %get3A = arith.index_cast %add3A_143 : i32 to index
        %get3A_144 = arith.constant 0 : index
        %get3A_145 = tpu.vector_load %arg6[%get3A, %get3A_144] {strides = array<i32>} : memref<200x128xf32, #tpu.memory_space<vmem>>, vector<1x16xf32>,
        %get3A_146 = vector.shape_cast %get3A_145 : vector<1x16xf32> to vector<16xf32>
        %add3A_147 = arith.addf %scan3A_136, %get3A_146 : vector<16xf32>
        %get3A_148 = arith.index_cast %add3A_143 : i32 to index
        %get3A_149 = arith.constant 16 : index
        %get3A_150 = tpu.vector_load %arg6[%get3A_148, %get3A_149] {strides = array<i32>} : memref<200x128xf32, #tpu.memory_space<vmem>>, vector<1x16xf32>,
        %get3A_151 = vector.shape_cast %get3A_150 : vector<1x16xf32> to vector<16xf32>
        %add3A_152 = arith.addf %scan3A_137, %get3A_151 : vector<16xf32>
        %get3A_153 = arith.index_cast %add3A_143 : i32 to index
        %get3A_154 = arith.constant 32 : index
        %get3A_155 = tpu.vector_load %arg6[%get3A_153, %get3A_154] {strides = array<i32>} : memref<200x128xf32, #tpu.memory_space<vmem>>, vector<1x16xf32>,
        %get3A_156 = vector.shape_cast %get3A_155 : vector<1x16xf32> to vector<16xf32>
        %add3A_157 = arith.addf %scan3A_138, %get3A_156 : vector<16xf32>
        %get3A_158 = arith.index_cast %add3A_143 : i32 to index
        %get3A_159 = arith.constant 48 : index
        %get3A_160 = tpu.vector_load %arg6[%get3A_158, %get3A_159] {strides = array<i32>} : memref<200x128xf32, #tpu.memory_space<vmem>>, vector<1x16xf32>,
        %get3A_161 = vector.shape_cast %get3A_160 : vector<1x16xf32> to vector<16xf32>
        %add3A_162 = arith.addf %scan3A_139, %get3A_161 : vector<16xf32>
        %mul3A_163 = arith.constant 8 : i32
        %mul3A_164 = arith.muli %scan3A_135, %mul3A_163 : i32
        %add3A_165 = arith.constant 1 : i32
        %add3A_166 = arith.addi %mul3A_164, %add3A_165 : i32
        %get3A_167 = arith.index_cast %add3A_166 : i32 to index
        %get3A_168 = arith.constant 0 : index
        %get3A_169 = tpu.vector_load %arg6[%get3A_167, %get3A_168] {strides = array<i32>} : memref<200x128xf32, #tpu.memory_space<vmem>>, vector<1x16xf32>,
        %get3A_170 = vector.shape_cast %get3A_169 : vector<1x16xf32> to vector<16xf32>
        %add3A_171 = arith.addf %add3A_147, %get3A_170 : vector<16xf32>
        %get3A_172 = arith.index_cast %add3A_166 : i32 to index
        %get3A_173 = arith.constant 16 : index
        %get3A_174 = tpu.vector_load %arg6[%get3A_172, %get3A_173] {strides = array<i32>} : memref<200x128xf32, #tpu.memory_space<vmem>>, vector<1x16xf32>,
        %get3A_175 = vector.shape_cast %get3A_174 : vector<1x16xf32> to vector<16xf32>
        %add3A_176 = arith.addf %add3A_152, %get3A_175 : vector<16xf32>
        %get3A_177 = arith.index_cast %add3A_166 : i32 to index
        %get3A_178 = arith.constant 32 : index
        %get3A_179 = tpu.vector_load %arg6[%get3A_177, %get3A_178] {strides = array<i32>} : memref<200x128xf32, #tpu.memory_space<vmem>>, vector<1x16xf32>,
        %get3A_180 = vector.shape_cast %get3A_179 : vector<1x16xf32> to vector<16xf32>
        %add3A_181 = arith.addf %add3A_157, %get3A_180 : vector<16xf32>
        %get3A_182 = arith.index_cast %add3A_166 : i32 to index
        %get3A_183 = arith.constant 48 : index
        %get3A_184 = tpu.vector_load %arg6[%get3A_182, %get3A_183] {strides = array<i32>} : memref<200x128xf32, #tpu.memory_space<vmem>>, vector<1x16xf32>,
        %get3A_185 = vector.shape_cast %get3A_184 : vector<1x16xf32> to vector<16xf32>
        %add3A_186 = arith.addf %add3A_162, %get3A_185 : vector<16xf32>
        %mul3A_187 = arith.constant 8 : i32
        %mul3A_188 = arith.muli %scan3A_135, %mul3A_187 : i32
        %add3A_189 = arith.constant 2 : i32
        %add3A_190 = arith.addi %mul3A_188, %add3A_189 : i32
        %get3A_191 = arith.index_cast %add3A_190 : i32 to index
        %get3A_192 = arith.constant 0 : index
        %get3A_193 = tpu.vector_load %arg6[%get3A_191, %get3A_192] {strides = array<i32>} : memref<200x128xf32, #tpu.memory_space<vmem>>, vector<1x16xf32>,
        %get3A_194 = vector.shape_cast %get3A_193 : vector<1x16xf32> to vector<16xf32>
        %add3A_195 = arith.addf %add3A_171, %get3A_194 : vector<16xf32>
        %get3A_196 = arith.index_cast %add3A_190 : i32 to index
        %get3A_197 = arith.constant 16 : index
        %get3A_198 = tpu.vector_load %arg6[%get3A_196, %get3A_197] {strides = array<i32>} : memref<200x128xf32, #tpu.memory_space<vmem>>, vector<1x16xf32>,
        %get3A_199 = vector.shape_cast %get3A_198 : vector<1x16xf32> to vector<16xf32>
        %add3A_200 = arith.addf %add3A_176, %get3A_199 : vector<16xf32>
        %get3A_201 = arith.index_cast %add3A_190 : i32 to index
        %get3A_202 = arith.constant 32 : index
        %get3A_203 = tpu.vector_load %arg6[%get3A_201, %get3A_202] {strides = array<i32>} : memref<200x128xf32, #tpu.memory_space<vmem>>, vector<1x16xf32>,
        %get3A_204 = vector.shape_cast %get3A_203 : vector<1x16xf32> to vector<16xf32>
        %add3A_205 = arith.addf %add3A_181, %get3A_204 : vector<16xf32>
        %get3A_206 = arith.index_cast %add3A_190 : i32 to index
        %get3A_207 = arith.constant 48 : index
        %get3A_208 = tpu.vector_load %arg6[%get3A_206, %get3A_207] {strides = array<i32>} : memref<200x128xf32, #tpu.memory_space<vmem>>, vector<1x16xf32>,
        %get3A_209 = vector.shape_cast %get3A_208 : vector<1x16xf32> to vector<16xf32>
        %add3A_210 = arith.addf %add3A_186, %get3A_209 : vector<16xf32>
        %mul3A_211 = arith.constant 8 : i32
        %mul3A_212 = arith.muli %scan3A_135, %mul3A_211 : i32
        %add3A_213 = arith.constant 3 : i32
        %add3A_214 = arith.addi %mul3A_212, %add3A_213 : i32
        %get3A_215 = arith.index_cast %add3A_214 : i32 to index
        %get3A_216 = arith.constant 0 : index
        %get3A_217 = tpu.vector_load %arg6[%get3A_215, %get3A_216] {strides = array<i32>} : memref<200x128xf32, #tpu.memory_space<vmem>>, vector<1x16xf32>,
        %get3A_218 = vector.shape_cast %get3A_217 : vector<1x16xf32> to vector<16xf32>
        %add3A_219 = arith.addf %add3A_195, %get3A_218 : vector<16xf32>
        %get3A_220 = arith.index_cast %add3A_214 : i32 to index
        %get3A_221 = arith.constant 16 : index
        %get3A_222 = tpu.vector_load %arg6[%get3A_220, %get3A_221] {strides = array<i32>} : memref<200x128xf32, #tpu.memory_space<vmem>>, vector<1x16xf32>,
        %get3A_223 = vector.shape_cast %get3A_222 : vector<1x16xf32> to vector<16xf32>
        %add3A_224 = arith.addf %add3A_200, %get3A_223 : vector<16xf32>
        %get3A_225 = arith.index_cast %add3A_214 : i32 to index
        %get3A_226 = arith.constant 32 : index
        %get3A_227 = tpu.vector_load %arg6[%get3A_225, %get3A_226] {strides = array<i32>} : memref<200x128xf32, #tpu.memory_space<vmem>>, vector<1x16xf32>,
        %get3A_228 = vector.shape_cast %get3A_227 : vector<1x16xf32> to vector<16xf32>
        %add3A_229 = arith.addf %add3A_205, %get3A_228 : vector<16xf32>
        %get3A_230 = arith.index_cast %add3A_214 : i32 to index
        %get3A_231 = arith.constant 48 : index
        %get3A_232 = tpu.vector_load %arg6[%get3A_230, %get3A_231] {strides = array<i32>} : memref<200x128xf32, #tpu.memory_space<vmem>>, vector<1x16xf32>,
        %get3A_233 = vector.shape_cast %get3A_232 : vector<1x16xf32> to vector<16xf32>
        %add3A_234 = arith.addf %add3A_210, %get3A_233 : vector<16xf32>
        %mul3A_235 = arith.constant 8 : i32
        %mul3A_236 = arith.muli %scan3A_135, %mul3A_235 : i32
        %add3A_237 = arith.constant 4 : i32
        %add3A_238 = arith.addi %mul3A_236, %add3A_237 : i32
        %get3A_239 = arith.index_cast %add3A_238 : i32 to index
        %get3A_240 = arith.constant 0 : index
        %get3A_241 = tpu.vector_load %arg6[%get3A_239, %get3A_240] {strides = array<i32>} : memref<200x128xf32, #tpu.memory_space<vmem>>, vector<1x16xf32>,
        %get3A_242 = vector.shape_cast %get3A_241 : vector<1x16xf32> to vector<16xf32>
        %add3A_243 = arith.addf %add3A_219, %get3A_242 : vector<16xf32>
        %get3A_244 = arith.index_cast %add3A_238 : i32 to index
        %get3A_245 = arith.constant 16 : index
        %get3A_246 = tpu.vector_load %arg6[%get3A_244, %get3A_245] {strides = array<i32>} : memref<200x128xf32, #tpu.memory_space<vmem>>, vector<1x16xf32>,
        %get3A_247 = vector.shape_cast %get3A_246 : vector<1x16xf32> to vector<16xf32>
        %add3A_248 = arith.addf %add3A_224, %get3A_247 : vector<16xf32>
        %get3A_249 = arith.index_cast %add3A_238 : i32 to index
        %get3A_250 = arith.constant 32 : index
        %get3A_251 = tpu.vector_load %arg6[%get3A_249, %get3A_250] {strides = array<i32>} : memref<200x128xf32, #tpu.memory_space<vmem>>, vector<1x16xf32>,
        %get3A_252 = vector.shape_cast %get3A_251 : vector<1x16xf32> to vector<16xf32>
        %add3A_253 = arith.addf %add3A_229, %get3A_252 : vector<16xf32>
        %get3A_254 = arith.index_cast %add3A_238 : i32 to index
        %get3A_255 = arith.constant 48 : index
        %get3A_256 = tpu.vector_load %arg6[%get3A_254, %get3A_255] {strides = array<i32>} : memref<200x128xf32, #tpu.memory_space<vmem>>, vector<1x16xf32>,
        %get3A_257 = vector.shape_cast %get3A_256 : vector<1x16xf32> to vector<16xf32>
        %add3A_258 = arith.addf %add3A_234, %get3A_257 : vector<16xf32>
        %mul3A_259 = arith.constant 8 : i32
        %mul3A_260 = arith.muli %scan3A_135, %mul3A_259 : i32
        %add3A_261 = arith.constant 5 : i32
        %add3A_262 = arith.addi %mul3A_260, %add3A_261 : i32
        %get3A_263 = arith.index_cast %add3A_262 : i32 to index
        %get3A_264 = arith.constant 0 : index
        %get3A_265 = tpu.vector_load %arg6[%get3A_263, %get3A_264] {strides = array<i32>} : memref<200x128xf32, #tpu.memory_space<vmem>>, vector<1x16xf32>,
        %get3A_266 = vector.shape_cast %get3A_265 : vector<1x16xf32> to vector<16xf32>
        %add3A_267 = arith.addf %add3A_243, %get3A_266 : vector<16xf32>
        %get3A_268 = arith.index_cast %add3A_262 : i32 to index
        %get3A_269 = arith.constant 16 : index
        %get3A_270 = tpu.vector_load %arg6[%get3A_268, %get3A_269] {strides = array<i32>} : memref<200x128xf32, #tpu.memory_space<vmem>>, vector<1x16xf32>,
        %get3A_271 = vector.shape_cast %get3A_270 : vector<1x16xf32> to vector<16xf32>
        %add3A_272 = arith.addf %add3A_248, %get3A_271 : vector<16xf32>
        %get3A_273 = arith.index_cast %add3A_262 : i32 to index
        %get3A_274 = arith.constant 32 : index
        %get3A_275 = tpu.vector_load %arg6[%get3A_273, %get3A_274] {strides = array<i32>} : memref<200x128xf32, #tpu.memory_space<vmem>>, vector<1x16xf32>,
        %get3A_276 = vector.shape_cast %get3A_275 : vector<1x16xf32> to vector<16xf32>
        %add3A_277 = arith.addf %add3A_253, %get3A_276 : vector<16xf32>
        %get3A_278 = arith.index_cast %add3A_262 : i32 to index
        %get3A_279 = arith.constant 48 : index
        %get3A_280 = tpu.vector_load %arg6[%get3A_278, %get3A_279] {strides = array<i32>} : memref<200x128xf32, #tpu.memory_space<vmem>>, vector<1x16xf32>,
        %get3A_281 = vector.shape_cast %get3A_280 : vector<1x16xf32> to vector<16xf32>
        %add3A_282 = arith.addf %add3A_258, %get3A_281 : vector<16xf32>
        %mul3A_283 = arith.constant 8 : i32
        %mul3A_284 = arith.muli %scan3A_135, %mul3A_283 : i32
        %add3A_285 = arith.constant 6 : i32
        %add3A_286 = arith.addi %mul3A_284, %add3A_285 : i32
        %get3A_287 = arith.index_cast %add3A_286 : i32 to index
        %get3A_288 = arith.constant 0 : index
        %get3A_289 = tpu.vector_load %arg6[%get3A_287, %get3A_288] {strides = array<i32>} : memref<200x128xf32, #tpu.memory_space<vmem>>, vector<1x16xf32>,
        %get3A_290 = vector.shape_cast %get3A_289 : vector<1x16xf32> to vector<16xf32>
        %add3A_291 = arith.addf %add3A_267, %get3A_290 : vector<16xf32>
        %get3A_292 = arith.index_cast %add3A_286 : i32 to index
        %get3A_293 = arith.constant 16 : index
        %get3A_294 = tpu.vector_load %arg6[%get3A_292, %get3A_293] {strides = array<i32>} : memref<200x128xf32, #tpu.memory_space<vmem>>, vector<1x16xf32>,
        %get3A_295 = vector.shape_cast %get3A_294 : vector<1x16xf32> to vector<16xf32>
        %add3A_296 = arith.addf %add3A_272, %get3A_295 : vector<16xf32>
        %get3A_297 = arith.index_cast %add3A_286 : i32 to index
        %get3A_298 = arith.constant 32 : index
        %get3A_299 = tpu.vector_load %arg6[%get3A_297, %get3A_298] {strides = array<i32>} : memref<200x128xf32, #tpu.memory_space<vmem>>, vector<1x16xf32>,
        %get3A_300 = vector.shape_cast %get3A_299 : vector<1x16xf32> to vector<16xf32>
        %add3A_301 = arith.addf %add3A_277, %get3A_300 : vector<16xf32>
        %get3A_302 = arith.index_cast %add3A_286 : i32 to index
        %get3A_303 = arith.constant 48 : index
        %get3A_304 = tpu.vector_load %arg6[%get3A_302, %get3A_303] {strides = array<i32>} : memref<200x128xf32, #tpu.memory_space<vmem>>, vector<1x16xf32>,
        %get3A_305 = vector.shape_cast %get3A_304 : vector<1x16xf32> to vector<16xf32>
        %add3A_306 = arith.addf %add3A_282, %get3A_305 : vector<16xf32>
        %mul3A_307 = arith.constant 8 : i32
        %mul3A_308 = arith.muli %scan3A_135, %mul3A_307 : i32
        %add3A_309 = arith.constant 7 : i32
        %add3A_310 = arith.addi %mul3A_308, %add3A_309 : i32
        %get3A_311 = arith.index_cast %add3A_310 : i32 to index
        %get3A_312 = arith.constant 0 : index
        %get3A_313 = tpu.vector_load %arg6[%get3A_311, %get3A_312] {strides = array<i32>} : memref<200x128xf32, #tpu.memory_space<vmem>>, vector<1x16xf32>,
        %get3A_314 = vector.shape_cast %get3A_313 : vector<1x16xf32> to vector<16xf32>
        %add3A_315 = arith.addf %add3A_291, %get3A_314 : vector<16xf32>
        %get3A_316 = arith.index_cast %add3A_310 : i32 to index
        %get3A_317 = arith.constant 16 : index
        %get3A_318 = tpu.vector_load %arg6[%get3A_316, %get3A_317] {strides = array<i32>} : memref<200x128xf32, #tpu.memory_space<vmem>>, vector<1x16xf32>,
        %get3A_319 = vector.shape_cast %get3A_318 : vector<1x16xf32> to vector<16xf32>
        %add3A_320 = arith.addf %add3A_296, %get3A_319 : vector<16xf32>
        %get3A_321 = arith.index_cast %add3A_310 : i32 to index
        %get3A_322 = arith.constant 32 : index
        %get3A_323 = tpu.vector_load %arg6[%get3A_321, %get3A_322] {strides = array<i32>} : memref<200x128xf32, #tpu.memory_space<vmem>>, vector<1x16xf32>,
        %get3A_324 = vector.shape_cast %get3A_323 : vector<1x16xf32> to vector<16xf32>
        %add3A_325 = arith.addf %add3A_301, %get3A_324 : vector<16xf32>
        %get3A_326 = arith.index_cast %add3A_310 : i32 to index
        %get3A_327 = arith.constant 48 : index
        %get3A_328 = tpu.vector_load %arg6[%get3A_326, %get3A_327] {strides = array<i32>} : memref<200x128xf32, #tpu.memory_space<vmem>>, vector<1x16xf32>,
        %get3A_329 = vector.shape_cast %get3A_328 : vector<1x16xf32> to vector<16xf32>
        %add3A_330 = arith.addf %add3A_306, %get3A_329 : vector<16xf32>
        scf.yield %add3A_315, %add3A_320, %add3A_325, %add3A_330 : vector<16xf32>, vector<16xf32>, vector<16xf32>, vector<16xf32>
      }
      %scan3A_103 = arith.constant 25 : i32
      %mul3A_104 = arith.constant 5.000000e-03 : f32
      %mul3A_105 = vector.broadcast %mul3A_104 : f32 to vector<16xf32>
      %mul3A_106 = arith.mulf %scan3A_102#0, %mul3A_105 : vector<16xf32>
      %swap3A = arith.index_cast %scan3A_10 : i32 to index
      %swap3A_107 = arith.constant 0 : index
      %swap3A_108 = tpu.vector_load %arg7[%swap3A, %swap3A_107] {strides = array<i32>} : memref<128x64xf32, #tpu.memory_space<vmem>>, vector<1x16xf32>,
      %swap3A_109 = vector.shape_cast %swap3A_108 : vector<1x16xf32> to vector<16xf32>
      %swap3A_110 = vector.shape_cast %mul3A_106 : vector<16xf32> to vector<1x16xf32>
      tpu.vector_store %arg7[%swap3A, %swap3A_107], %swap3A_110 {strides = array<i32>} : memref<128x64xf32, #tpu.memory_space<vmem>>, vector<1x16xf32>,
      %mul3A_111 = arith.constant 5.000000e-03 : f32
      %mul3A_112 = vector.broadcast %mul3A_111 : f32 to vector<16xf32>
      %mul3A_113 = arith.mulf %scan3A_102#1, %mul3A_112 : vector<16xf32>
      %swap3A_114 = arith.index_cast %scan3A_10 : i32 to index
      %swap3A_115 = arith.constant 16 : index
      %swap3A_116 = tpu.vector_load %arg7[%swap3A_114, %swap3A_115] {strides = array<i32>} : memref<128x64xf32, #tpu.memory_space<vmem>>, vector<1x16xf32>,
      %swap3A_117 = vector.shape_cast %swap3A_116 : vector<1x16xf32> to vector<16xf32>
      %swap3A_118 = vector.shape_cast %mul3A_113 : vector<16xf32> to vector<1x16xf32>
      tpu.vector_store %arg7[%swap3A_114, %swap3A_115], %swap3A_118 {strides = array<i32>} : memref<128x64xf32, #tpu.memory_space<vmem>>, vector<1x16xf32>,
      %mul3A_119 = arith.constant 5.000000e-03 : f32
      %mul3A_120 = vector.broadcast %mul3A_119 : f32 to vector<16xf32>
      %mul3A_121 = arith.mulf %scan3A_102#2, %mul3A_120 : vector<16xf32>
      %swap3A_122 = arith.index_cast %scan3A_10 : i32 to index
      %swap3A_123 = arith.constant 32 : index
      %swap3A_124 = tpu.vector_load %arg7[%swap3A_122, %swap3A_123] {strides = array<i32>} : memref<128x64xf32, #tpu.memory_space<vmem>>, vector<1x16xf32>,
      %swap3A_125 = vector.shape_cast %swap3A_124 : vector<1x16xf32> to vector<16xf32>
      %swap3A_126 = vector.shape_cast %mul3A_121 : vector<16xf32> to vector<1x16xf32>
      tpu.vector_store %arg7[%swap3A_122, %swap3A_123], %swap3A_126 {strides = array<i32>} : memref<128x64xf32, #tpu.memory_space<vmem>>, vector<1x16xf32>,
      %mul3A_127 = arith.constant 5.000000e-03 : f32
      %mul3A_128 = vector.broadcast %mul3A_127 : f32 to vector<16xf32>
      %mul3A_129 = arith.mulf %scan3A_102#3, %mul3A_128 : vector<16xf32>
      %swap3A_130 = arith.index_cast %scan3A_10 : i32 to index
      %swap3A_131 = arith.constant 48 : index
      %swap3A_132 = tpu.vector_load %arg7[%swap3A_130, %swap3A_131] {strides = array<i32>} : memref<128x64xf32, #tpu.memory_space<vmem>>, vector<1x16xf32>,
      %swap3A_133 = vector.shape_cast %swap3A_132 : vector<1x16xf32> to vector<16xf32>
      %swap3A_134 = vector.shape_cast %mul3A_129 : vector<16xf32> to vector<1x16xf32>
      tpu.vector_store %arg7[%swap3A_130, %swap3A_131], %swap3A_134 {strides = array<i32>} : memref<128x64xf32, #tpu.memory_space<vmem>>, vector<1x16xf32>,
    }
    %scan3A_7 = arith.constant 128 : i32
    %mul3A_8 = arith.constant 128 : i32
    %mul3A_9 = arith.muli %add3A, %mul3A_8 : i32
    "tpu.region"() ({
      %run_scoped3A = tpu.sem_alloc : memref<!tpu.dma_semaphore, #tpu.memory_space<semaphore_mem>>
      %dma_start3A = arith.constant 0 : i32
      %dma_start3A_10 = tpu.memref_slice %arg4[%mul3A_9, %dma_start3A] : memref<4096x64xf32, #tpu.memory_space<hbm>> -> memref<128x64xf32, #tpu.memory_space<hbm>>
      %dma_start3A_11 = arith.constant 0 : i32
      %dma_start3A_12 = tpu.memref_slice %arg4[%mul3A_9, %dma_start3A_11] : memref<4096x64xf32, #tpu.memory_space<hbm>> -> memref<128x64xf32, #tpu.memory_space<hbm>>
      tpu.enqueue_dma source(%arg7 : memref<128x64xf32, #tpu.memory_space<vmem>>) target(%dma_start3A_12 : memref<128x64xf32, #tpu.memory_space<hbm>>) target_semaphore(%run_scoped3A : memref<!tpu.dma_semaphore, #tpu.memory_space<semaphore_mem>>)
      %dma_wait3A = arith.constant 0 : i32
      %dma_wait3A_13 = tpu.memref_slice %arg4[%mul3A_9, %dma_wait3A] : memref<4096x64xf32, #tpu.memory_space<hbm>> -> memref<128x64xf32, #tpu.memory_space<hbm>>
      %dma_wait3A_14 = arith.constant 0 : i32
      %dma_wait3A_15 = tpu.memref_slice %arg4[%mul3A_9, %dma_wait3A_14] : memref<4096x64xf32, #tpu.memory_space<hbm>> -> memref<128x64xf32, #tpu.memory_space<hbm>>
      tpu.wait_dma2 semaphore(%run_scoped3A : memref<!tpu.dma_semaphore, #tpu.memory_space<semaphore_mem>>) src(%arg7 : memref<128x64xf32, #tpu.memory_space<vmem>>) dst(%dma_wait3A_15 : memref<128x64xf32, #tpu.memory_space<hbm>>)
      tpu.yield
    }) : () -> ()
    return
  }
}

module attributes {stable_mosaic.version = 14 : i64} {
  func.func @mk(%arg0: memref<4096x64xf32, #tpu.memory_space<vmem>>, %arg1: memref<64x64xf32, #tpu.memory_space<vmem>>, %arg2: memref<1x64xf32, #tpu.memory_space<vmem>>, %arg3: memref<10x64xf32, #tpu.memory_space<vmem>>, %arg4: memref<1x10xf32, #tpu.memory_space<vmem>>, %arg5: memref<4096x10xf32, #tpu.memory_space<vmem>>) attributes {dimension_semantics = [], scalar_prefetch = 0 : i64, scratch_operands = 0 : i64, tpu.core_type = #tpu.core_type<tc>} {
    %get3A = arith.constant 0 : index
    %get3A_0 = arith.constant 0 : index
    %get3A_1 = vector.load %arg0[%get3A, %get3A_0] : memref<4096x64xf32, #tpu.memory_space<vmem>>, vector<4096x64xf32>
    %get3A_2 = arith.constant 0 : index
    %get3A_3 = arith.constant 0 : index
    %get3A_4 = vector.load %arg1[%get3A_2, %get3A_3] : memref<64x64xf32, #tpu.memory_space<vmem>>, vector<64x64xf32>
    %dot_general3A = arith.constant dense<0.000000e+00> : vector<4096x64xf32>
    %dot_general3A_5 = tpu.matmul %get3A_1, %get3A_4, %dot_general3A {dimension_numbers = #tpu.dot_dimension_numbers<[1], [1], [0], [0], [0, 0, 1, 0], [], []>, transpose_lhs_hint = false} : vector<4096x64xf32>, vector<64x64xf32>, vector<4096x64xf32> -> vector<4096x64xf32>
    %get3A_6 = arith.constant 0 : index
    %get3A_7 = arith.constant 0 : index
    %get3A_8 = vector.load %arg2[%get3A_6, %get3A_7] : memref<1x64xf32, #tpu.memory_space<vmem>>, vector<1x64xf32>
    %add3A = vector.broadcast %get3A_8 : vector<1x64xf32> to vector<4096x64xf32>
    %add3A_9 = arith.addf %dot_general3A_5, %add3A : vector<4096x64xf32>
    %max3A = arith.constant 0.000000e+00 : f32
    %max3A_10 = vector.broadcast %max3A : f32 to vector<4096x64xf32>
    %max3A_11 = arith.maximumf %add3A_9, %max3A_10 : vector<4096x64xf32>
    %get3A_12 = arith.constant 0 : index
    %get3A_13 = arith.constant 0 : index
    %get3A_14 = vector.load %arg3[%get3A_12, %get3A_13] : memref<10x64xf32, #tpu.memory_space<vmem>>, vector<10x64xf32>
    %dot_general3A_15 = arith.constant dense<0.000000e+00> : vector<4096x10xf32>
    %dot_general3A_16 = tpu.matmul %max3A_11, %get3A_14, %dot_general3A_15 {dimension_numbers = #tpu.dot_dimension_numbers<[1], [1], [0], [0], [0, 0, 1, 0], [], []>, transpose_lhs_hint = false} : vector<4096x64xf32>, vector<10x64xf32>, vector<4096x10xf32> -> vector<4096x10xf32>
    %get3A_17 = arith.constant 0 : index
    %get3A_18 = arith.constant 0 : index
    %get3A_19 = vector.load %arg4[%get3A_17, %get3A_18] : memref<1x10xf32, #tpu.memory_space<vmem>>, vector<1x10xf32>
    %add3A_20 = vector.broadcast %get3A_19 : vector<1x10xf32> to vector<4096x10xf32>
    %add3A_21 = arith.addf %dot_general3A_16, %add3A_20 : vector<4096x10xf32>
    %swap3A = arith.constant 0 : index
    %swap3A_22 = arith.constant 0 : index
    %swap3A_23 = vector.load %arg5[%swap3A, %swap3A_22] : memref<4096x10xf32, #tpu.memory_space<vmem>>, vector<4096x10xf32>
    tpu.vector_store %arg5[%swap3A, %swap3A_22], %add3A_21 {strides = array<i32>} : memref<4096x10xf32, #tpu.memory_space<vmem>>, vector<4096x10xf32>,
    return
  }
}

</mosaic_0001>

<sc_bundles>
// kernel: kernel.4.cloned.1.call-start
scs
__scs_entry_jumppad:
0x0: {  	(pc) =	sbr.rel $0x88, $3  }
0x1: {  	(tag) =	ssettag $0x0;
	lr =	simm.s32 $0x1  }
0x2: {  	[smem:$0x3F9B] =	sst lr;
	_ =	strace $0xD0000000  }
0x3: {  	_ = 	snop  }
0x4: {  	_ = 	snop  }
0x5: {  	_ = 	snop  }
0x6: {  	_ = 	snop  }
0x7: {  	_ = 	snop  }
__scs_overlays_trampoline_lowered:
0x8: {  	[smem:$0x3FAA] =	sst s0  }
0x9: {  	[smem:$0x3FAB] =	sst s1  }
0xa: {  	[smem:$0x3FAC] =	sst s2  }
0xb: {  	[smem:$0x3FAD] =	sst s3  }
0xc: {  	[smem:$0x3FAE] =	sst s4  }
0xd: {  	[smem:$0x3FAF] =	sst s5  }
0xe: {  	[smem:$0x3FB0] =	sst s6  }
0xf: {  	[smem:$0x3FB1] =	sst s7  }
0x10: {  	[smem:$0x3FB2] =	sst s8  }
0x11: {  	[smem:$0x3FB3] =	sst s9;
	s0 =	simm.s32 @!p0 $0x0  }
0x12: {  	s1 =	sld [smem:$0x3F99];
	s0 =	simm.s32 @p0 $0x1  }
0x13: {  	[smem:$0x3FB4] =	sst s0;
	s0 =	simm.s32 @!p1 $0x0  }
0x14: {  	s2 =	sld [smem:$0x3F98];
	s0 =	simm.s32 @p1 $0x1  }
0x15: {  	[smem:$0x3FB5] =	sst s0;
	s0 =	simm.s32 @!p2 $0x0  }
0x16: {  	s3 =	sld [smem:$0x3FDB];
	s0 =	simm.s32 @p2 $0x1  }
0x17: {  	s4 =	simm.s32 $0x1BF5;
	[smem:$0x3FB7] =	sst s0  }
0x18: {  	s0 =	sld [smem:$0x3F9A];
	_ =	swait.ge [sflag:s4], $0x0  }
0x19: {  	s7 =	sld [smem:$0x3F9B]  }
0x1a: {  	s8 =	sadd.s32 $0xFFFFE003, lr  }
0x1b: {  	s9 =	sadd.s32 $0xFFFFFEF7, lr;
	s5 =	simm.s32 $0xFFFFFFFF;
	p2 =	slt.u32 s8, $0xFFFFF086  }
0x1c: {  	p1 =	slt.u32 s9, $0xF7A;
	s5 =	simm.s32 @!p2 $0x0  }
0x1d: {  	s5 =	simm.s32 @p1 $0x1;
	p0 =	seq.s32 s7, s2  }
0x1e: {  	s7 =	smul.u32 @!p0 $0xF7A, s2;
	p2 =	seq.s32 @!p0 s5, $0x0  }
0x1f: {  	s9 =	smul.u32 $0xF7A, s1;
	s8 =	simm.s32 @!p0 $0x1BF5;
	p2 =	por !p2, p0  }
0x20: {  	[sflag:s8] =	ssyncset.s32 @!p0 $0xFFFFF086;
	s6 =	sadd.s32 @!p0 s3, s7;
	s7 =	simm.s32 @!p0 $0x108  }
0x21: {  	s3 =	sadd.s32 s3, s9;
	s6 =	sadd.s32 @!p0 $0x88, s6;
	s7 =	simm.s32 @p2 $0x1082  }
0x22: {  	[simem:s7], [sflag:s8] =	dma.local @!p0 [hbm:s6], $0xF7A  }
0x23: {  	s9 =	sor.u32 $0xD0000000, s2;
	s6 =	simm.s32 $0x108;
	_ =	swait.ge @!p0 [sflag:s8], $0x0  }
0x24: {  	s3 =	sadd.s32 $0x88, s3;
	s6 =	simm.s32 @!p1 $0x1082;
	[sflag:s4] =	ssyncset.s32 $0xFFFFF086  }
0x25: {  	[simem:s6], [sflag:s4] =	dma.local [hbm:s3], $0xF7A  }
0x26: {  	[smem:$0x3F9B] =	sst s1;
	(tag) =	ssettag s2;
	_ =	strace s9  }
0x27: {  	s1 =	sld [smem:$0x3FAB]  }
0x28: {  	s2 =	sld [smem:$0x3FAC]  }
0x29: {  	s4 =	sld [smem:$0x3FAE]  }
0x2a: {  	p0 =	seq.s32 s5, $0x0;
	s5 =	sld [smem:$0x3FAF]  }
0x2b: {  	s6 =	sld [smem:$0x3FB0]  }
0x2c: {  	s7 =	sld [smem:$0x3FB1]  }
0x2d: {  	s3 =	simm.s32 $0x108;
	s8 =	sld [smem:$0x3FB2]  }
0x2e: {  	s3 =	simm.s32 @!p0 $0x1082;
	s9 =	sld [smem:$0x3FB3]  }
0x2f: {  	lr =	sadd.s32 s0, s3;
	s0 =	sld [smem:$0x3FAA]  }
0x30: {  	s3 =	sld [smem:$0x3FAD]  }
0x31: {  	[smem:$0x3FB6] =	sst s10  }
0x32: {  	s10 =	sld [smem:$0x3FB4];
	_ =	sdelay $0x3  }
0x33: {  	p0 =	seq.s32 s10, $0x1;
	s10 =	sld [smem:$0x3FB6];
	_ =	sdelay $0x3  }
0x34: {  	[smem:$0x3FB6] =	sst s10  }
0x35: {  	s10 =	sld [smem:$0x3FB5];
	_ =	sdelay $0x3  }
0x36: {  	p1 =	seq.s32 s10, $0x1;
	s10 =	sld [smem:$0x3FB6];
	_ =	sdelay $0x3  }
0x37: {  	[smem:$0x3FB6] =	sst s10  }
0x38: {  	s10 =	sld [smem:$0x3FB7]  }
0x39: {  	_ = 	snop;
	(pc) =	sbr.ind lr, $3  }
0x3a: {  	_ = 	snop  }
0x3b: {  	_ = 	snop  }
0x3c: {  	p2 =	seq.s32 s10, $0x1;
	s10 =	sld [smem:$0x3FB6]  }
0x3d: {  	_ =	shalt  }
0x3e: {  	_ =	shalt  }
0x3f: {  	_ =	shalt  }
0x40: {  	_ =	shalt  }
0x41: {  	_ =	shalt  }
0x42: {  	_ =	shalt  }
0x43: {  	_ =	shalt  }
0x44: {  	_ =	shalt  }
0x45: {  	_ =	shalt  }
0x46: {  	_ =	shalt  }
0x47: {  	_ =	shalt  }
0x48: {  	_ =	shalt  }
0x49: {  	_ =	shalt  }
0x4a: {  	_ =	shalt  }
0x4b: {  	_ =	shalt  }
0x4c: {  	_ =	shalt  }
0x4d: {  	_ =	shalt  }
0x4e: {  	_ =	shalt  }
0x4f: {  	_ =	shalt  }
0x50: {  	_ =	shalt  }
0x51: {  	_ =	shalt  }
0x52: {  	_ =	shalt  }
0x53: {  	_ =	shalt  }
0x54: {  	_ =	shalt  }
0x55: {  	_ =	shalt  }
0x56: {  	_ =	shalt  }
0x57: {  	_ =	shalt  }
0x58: {  	_ =	shalt  }
0x59: {  	_ =	shalt  }
0x5a: {  	_ =	shalt  }
0x5b: {  	_ =	shalt  }
0x5c: {  	_ =	shalt  }
0x5d: {  	_ =	shalt  }
0x5e: {  	_ =	shalt  }
0x5f: {  	_ =	shalt  }
0x60: {  	_ =	shalt  }
0x61: {  	_ =	shalt  }
0x62: {  	_ =	shalt  }
0x63: {  	_ =	shalt  }
0x64: {  	_ =	shalt  }
0x65: {  	_ =	shalt  }
0x66: {  	_ =	shalt  }
0x67: {  	_ =	shalt  }
0x68: {  	_ =	shalt  }
0x69: {  	_ =	shalt  }
0x6a: {  	_ =	shalt  }
0x6b: {  	_ =	shalt  }
0x6c: {  	_ =	shalt  }
0x6d: {  	_ =	shalt  }
0x6e: {  	_ =	shalt  }
0x6f: {  	_ =	shalt  }
0x70: {  	_ =	shalt  }
0x71: {  	_ =	shalt  }
0x72: {  	_ =	shalt  }
0x73: {  	_ =	shalt  }
0x74: {  	_ =	shalt  }
0x75: {  	_ =	shalt  }
0x76: {  	_ =	shalt  }
0x77: {  	_ =	shalt  }
0x78: {  	_ =	shalt  }
0x79: {  	_ =	shalt  }
0x7a: {  	_ =	shalt  }
0x7b: {  	_ =	shalt  }
0x7c: {  	_ =	shalt  }
0x7d: {  	_ =	shalt  }
0x7e: {  	_ =	shalt  }
0x7f: {  	_ =	shalt  }
0x80: {  	_ =	shalt  }
0x81: {  	_ =	shalt  }
0x82: {  	_ =	shalt  }
0x83: {  	_ =	shalt  }
0x84: {  	_ =	shalt  }
0x85: {  	_ =	shalt  }
0x86: {  	_ =	shalt  }
0x87: {  	_ =	shalt  }
.Lfunc_end0:
.L_simem_size_0:
called_computation_lowered:
.L_overlay_start_0:
0x88: {  	s2 =	sld [smem:$0x3FD9]  }
0x89: {  	s3 =	sld [smem:$0x3FFE];
	_ =	sdelay $0x1  }
0x8a: {  	s1 =	srdreg.scid  }
0x8b: {  	s0 =	sand.u32 $0x1, s1  }
0x8c: {  	s16 =	sshll.u32 s0, $0xA;
	s2 =	sadd.s32 s3, s2  }
0x8d: {  	s2 =	sadd.s32 s2, s16  }
0x8e: {  	[smem:$0x3FC2] =	sst s2  }
0x8f: {  	_ = 	snop  }
0x90: {  	(tm) =	ssettm $0x1  }
0x91: {  	s17 =	sld [smem:$0x3FFB];
	_ =	sdelay $0x3  }
0x92: {  	_ =	strace s17  }
0x93: {  	s2 =	sld [smem:$0x3FFC];
	_ =	sdelay $0x3  }
0x94: {  	_ =	strace s2  }
0x95: {  	s2 =	sld [smem:$0x3FFD];
	_ =	sdelay $0x3  }
0x96: {  	_ =	strace s2  }
0x97: {  	_ =	strace $0x8FFFFFFF  }
0x98: {  	s18 =	sld [smem:$0x3FDB];
	_ =	sdelay $0x1  }
0x99: {  	s19 =	simm.s32 $_scs_section_size  }
0x9a: {  	s4 =	simm.s32 $_size__tile_overlayer_lowered;
	s5 =	simm.s32 $_tile_overlayer_lowered  }
0x9b: {  	s22 =	simm.s32 $0x1BFF;
	s21 =	sshll.u32 s5, $0x1;
	s2 =	sadd.s32 s19, s18  }
0x9c: {  	s6 =	simm.s32 $0x0;
	s20 =	sshll.u32 s4, $0x1;
	s4 =	sadd.s32 s21, s2  }
0x9d: {  	[timem:s6], [sflag:s22] =	dma.local [hbm:s4], s20  }
0x9e: {  	_ =	swait.ge [sflag:s22], s20  }
0x9f: {  	s3 =	ssub.s32 $0x0, s20;
	[sflag:s22] =	ssyncset.done $0x0  }
0xa0: {  	[sflag:s22] =	ssyncadd.s32 s3;
	_ =	sdelay $0x1  }
0xa1: {  	s23 =	simm.s32 $0x1B8B  }
0xa2: {  	_ =	swait.ge [sflag:s23], $0x1  }
0xa3: {  	[sflag:s23] =	ssyncset.done $0x0  }
0xa4: {  	s25 =	simm.s32 $0x1B8E;
	s24 =	sld [smem:$0x3FFE];
	[sflag:s23] =	ssyncadd.s32 $0xFFFFFFFF  }
0xa5: {  	s26 =	simm.s32 $execute0_lowered;
	[smem:$0x3FD2] =	sst s25  }
0xa6: {  	s4 =	sshll.u32 s26, $0x1;
	_ =	strace $0x80000046;
	[dreg:$0x1] =	wrdreg $0xFFFFFFFF  }
0xa7: {  	s28 =	simm.s32 $_size_execute0_lowered;
	s2 =	sadd.s32 s2, s4;
	[dreg:$0x0] =	wrdreg $0x0  }
0xa8: {  	s4 =	sshll.u32 s28, $0x1;
	[dreg:$0x2] =	wrdreg s2  }
0xa9: {  	[dreg:$0x3] =	wrdreg s4  }
0xaa: {  	[dreg:$0x4] =	wrdreg $0xC0  }
0xab: {  	_ =	task [dreg:s6], $0x5FFFF  }
0xac: {  	[dreg:$0x1] =	wrdreg $0xFFFFFFFF  }
0xad: {  	[dreg:$0x0] =	wrdreg $0x60  }
0xae: {  	[dreg:$0x2] =	wrdreg s24  }
0xaf: {  	[dreg:$0x3] =	wrdreg $0x9  }
0xb0: {  	_ =	task.clear_ibuf [dreg:s6], $0x4FFFF;
	_ =	strace $0x90000046  }
0xb1: {  	s29 =	simm.s32 $0x9;
	_ =	strace $0x80000048  }
0xb2: {  	_ =	swait.ge [sflag:s29], $0x1  }
0xb3: {  	[sflag:s29] =	ssyncadd.s32 $0xFFFFFFFF  }
0xb4: {  	_ =	strace $0x90000048  }
0xb5: {  	_ =	sfence  }
0xb6: {  	s30 =	sld [smem:$0x0];
	_ =	sdelay $0x2  }
0xb7: {  	s31 =	sshll.u32 s1, $0xD;
	s1 =	sshrl.u32 s1, $0x2  }
0xb8: {  	s3 =	sand.u32 $0x4000, s31;
	s1 =	sadd.s32 s1, s30  }
0xb9: {  	s0 =	sor.u32 s3, s0;
	s1 =	sshll.u32 s1, $0x11  }
0xba: {  	s0 =	sor.u32 s1, s0  }
0xbb: {  	s0 =	sadd.s32 $0x8F2B, s0  }
0xbc: {  	[sflag:s0] =	ssyncadd.remote.s32 $0x1  }
0xbd: {  	_ =	sfence.sel $0xFFFF  }
0xbe: {  	[dreg:$0x0] =	wrdreg $0xFFFFFFFF;
	(pc) =	sbr.abs _section_cstart, $3  }
0xbf: {  	[dreg:$0x1] =	wrdreg $0xFFFFFFFF  }
0xc0: {  	_ =	task.clear_ibuf [dreg:s6], $0x2FFFF;
	_ =	strace $0x9FFFFFFF  }
0xc1: {  	(tm) =	ssettm $0x7FFFFFFF  }
tec
execute0_lowered:
.L_overlay_start_1:
0x0: {  	(tag) =	ssettag $0x1  }
0x1: {  	s4 =	rddreg [dreg:$0x0]  }
0x2: {  	s0 =	rddreg [dreg:$0x1];
	s3 =	srdreg.scid  }
0x3: {  	s1 =	stileid.u32;
	s2 =	simm.s32 $0x0;
	s9 =	simm.s32 $0x10000  }
0x4: {  	s10 =	simm.s32 $0x11900;
	s11 =	simm.s32 $0x13200;
	s12 =	simm.s32 $0x14B00  }
0x5: {  	s13 =	simm.s32 $0x1;
	s14 =	simm.s32 $0x16400;
	s15 =	simm.s32 $0x0  }
0x6: {  	s3 =	sand.u32 $0x1, s3;
	s5 =	sshll.u32 s1, $0x1;
	[smem:$0x7FF] =	sst s2  }
0x7: {  	s5 =	sor.u32 s3, s5;
	_ =	strace $0x80000047;
	s7 =	ssub.s32 $0x2, s3  }
0x8: {  	s3 =	sadd.s32 $0xF43400, s4;
	s6 =	sshll.u32 s5, $0xD;
	s5 =	sshll.u32 s5, $0xB  }
0x9: {  	s8 =	sshrl.u32 s7, $0x1;
	s6 =	sadd.s32 s6, s4;
	s5 =	sadd.s32 s5, s4  }
0xa: {  	s7 =	ssub.s32 s7, s8;
	s8 =	simm.s32 $0x32;
	s4 =	sadd.s32 $0x1000, s6  }
0xb: {  	s5 =	sadd.s32 $0x41000, s5;
	s6 =	smax.u32 s7, $0x1;
	s7 =	simm.s32 $0x2  }
.LBB2_1:
0xc: {  	[tilespmem:s2], [sflag:$0x2] =	stream.linear.gather [hbm4b:s4+s2], $0x10000, $0x38;
	[tilespmem:$0x1A400] =	vst v63  }
0xd: {  	_ =	swait.ge [sflag:s7], $0x10000  }
0xe: {  	[sflag:s7] =	ssyncset.done $0x0  }
0xf: {  	s16 =	simm.s32 $0x0;
	[sflag:s7] =	ssyncadd.s32 $0xFFFF0000  }
.LBB2_2:
0x10: {  	s17 =	sshll.u32 s16, $0x9  }
0x11: {  	s17 =	sand.u32 $0x3FFFFE00, s17  }
0x12: {  	[tilespmem:s9], [sflag:$0x1] =	stream.indirect.gather [hbm4b:s3+s8], $0x80, s17, s8, $0xb8;
	[tilespmem:$0x1A400] =	vst v63  }
0x13: {  	s18 =	sor.u32 $0x80, s17  }
0x14: {  	[tilespmem:s10], [sflag:$0x1] =	stream.indirect.gather [hbm4b:s3+s8], $0x80, s18, s8, $0xb8;
	[tilespmem:$0x1A400] =	vst v63  }
0x15: {  	s31 =	sor.u32 $0x100, s17  }
0x16: {  	[tilespmem:s11], [sflag:$0x1] =	stream.indirect.gather [hbm4b:s3+s8], $0x80, s31, s8, $0xb8;
	[tilespmem:$0x1A400] =	vst v63  }
0x17: {  	s17 =	sor.u32 $0x180, s17  }
0x18: {  	[tilespmem:s12], [sflag:$0x1] =	stream.indirect.gather [hbm4b:s3+s8], $0x80, s17, s8, $0xb8;
	[tilespmem:$0x1A400] =	vst v63  }
0x19: {  	_ =	swait.ge [sflag:s13], $0x1900  }
0x1a: {  	[sflag:s13] =	ssyncset.done $0x0  }
0x1b: {  	[sflag:s13] =	ssyncadd.s32 $0xFFFFE700  }
0x1c: {  	_ =	swait.ge [sflag:s13], $0x1900  }
0x1d: {  	[sflag:s13] =	ssyncset.done $0x0  }
0x1e: {  	[sflag:s13] =	ssyncadd.s32 $0xFFFFE700  }
0x1f: {  	_ =	swait.ge [sflag:s13], $0x1900  }
0x20: {  	[sflag:s13] =	ssyncset.done $0x0  }
0x21: {  	[sflag:s13] =	ssyncadd.s32 $0xFFFFE700  }
0x22: {  	_ =	swait.ge [sflag:s13], $0x1900  }
0x23: {  	[sflag:s13] =	ssyncset.done $0x0  }
0x24: {  	s17 =	simm.s32 $0x0;
	[sflag:s13] =	ssyncadd.s32 $0xFFFFE700  }
0x25: {  	v0 =	vld [tilespmem:s17+$0x10380]  }
0x26: {  	v1 =	vld [tilespmem:s17+$0x10390]  }
0x27: {  	v2 =	vld [tilespmem:s17+$0x10300]  }
0x28: {  	v3 =	vld [tilespmem:s17+$0x10310]  }
0x29: {  	v4 =	vld [tilespmem:s17+$0x10280]  }
0x2a: {  	v5 =	vld [tilespmem:s17+$0x10290]  }
0x2b: {  	v6 =	vld [tilespmem:s17+$0x10200]  }
0x2c: {  	v7 =	vld [tilespmem:s17+$0x10210]  }
0x2d: {  	v9 =	vld [tilespmem:s17+$0x10180]  }
0x2e: {  	v8 =	vld [tilespmem:s17+$0x10190]  }
0x2f: {  	v11 =	vld [tilespmem:s17+$0x10100]  }
0x30: {  	v10 =	vld [tilespmem:s17+$0x10110]  }
0x31: {  	v17 =	vld [tilespmem:s17+$0x10080]  }
0x32: {  	v16 =	vld [tilespmem:s17+$0x10090]  }
0x33: {  	v19 =	vld [tilespmem:s17+$0x10000]  }
0x34: {  	v12 =	vimm.f32 $0.0e+00;
	v20 =	vld [tilespmem:s17+$0x10010]  }
0x35: {  	v15 =	vimm.f32 $0.0e+00;
	v14 =	vimm.f32 $0.0e+00;
	v13 =	vimm.f32 $0.0e+00;
	s18 =	simm.s32 $0x1000;
	v18 =	vld [tilespmem:s17+$0x10020]  }
.LBB2_3:
0x36: {  	p0 =	sne.s32 s18, $0x18000;
	v21 =	vld [tilespmem:s17+$0x10030]  }
0x37: {  	v22 =	vld [tilespmem:s17+$0x100A0]  }
0x38: {  	v23 =	vld [tilespmem:s17+$0x100B0]  }
0x39: {  	v24 =	vld [tilespmem:s17+$0x10120]  }
0x3a: {  	v12 =	vadd.f32 v19, v12;
	v15 =	vadd.f32 v20, v15;
	v19 =	vld [tilespmem:s17+$0x10130]  }
0x3b: {  	v14 =	vadd.f32 v18, v14;
	v13 =	vadd.f32 v21, v13;
	v18 =	vld [tilespmem:s17+$0x101A0]  }
0x3c: {  	v12 =	vadd.f32 v17, v12;
	v15 =	vadd.f32 v16, v15;
	v16 =	vld [tilespmem:s17+$0x101B0]  }
0x3d: {  	v14 =	vadd.f32 v22, v14;
	v13 =	vadd.f32 v23, v13;
	v17 =	vld [tilespmem:s17+$0x10220]  }
0x3e: {  	v11 =	vadd.f32 v11, v12;
	v10 =	vadd.f32 v10, v15;
	v12 =	vld [tilespmem:s17+$0x10230]  }
0x3f: {  	v14 =	vadd.f32 v24, v14;
	v13 =	vadd.f32 v19, v13;
	v15 =	vld [tilespmem:s17+$0x102A0]  }
0x40: {  	v9 =	vadd.f32 v9, v11;
	v8 =	vadd.f32 v8, v10;
	v10 =	vld [tilespmem:s17+$0x102B0]  }
0x41: {  	v11 =	vadd.f32 v18, v14;
	v13 =	vadd.f32 v16, v13;
	v14 =	vld [tilespmem:s17+$0x10320]  }
0x42: {  	v6 =	vadd.f32 v6, v9;
	v7 =	vadd.f32 v7, v8;
	v8 =	vld [tilespmem:s17+$0x10330]  }
0x43: {  	v9 =	vadd.f32 v17, v11;
	v11 =	vadd.f32 v12, v13;
	v13 =	vld [tilespmem:s17+$0x103A0]  }
0x44: {  	v4 =	vadd.f32 v4, v6;
	v5 =	vadd.f32 v5, v7;
	v6 =	vld [tilespmem:s17+$0x103B0];
	s17 =	sshra.s32 s18, $0x2  }
0x45: {  	v9 =	vadd.f32 v15, v9;
	v7 =	vld [tilespmem:s17+$0x10380];
	v10 =	vadd.f32 v10, v11  }
0x46: {  	v4 =	vadd.f32 v2, v4;
	v5 =	vadd.f32 v3, v5;
	v11 =	vld [tilespmem:s17+$0x10390]  }
0x47: {  	v9 =	vadd.f32 v14, v9;
	v2 =	vld [tilespmem:s17+$0x10300];
	v8 =	vadd.f32 v8, v10  }
0x48: {  	v12 =	vadd.f32 v0, v4;
	v15 =	vadd.f32 v1, v5;
	v3 =	vld [tilespmem:s17+$0x10310]  }
0x49: {  	v14 =	vadd.f32 v13, v9;
	v4 =	vld [tilespmem:s17+$0x10280];
	v13 =	vadd.f32 v6, v8  }
0x4a: {  	v5 =	vld [tilespmem:s17+$0x10290];
	v0 =	vmov v7  }
0x4b: {  	v6 =	vld [tilespmem:s17+$0x10200];
	v1 =	vmov v11  }
0x4c: {  	v7 =	vld [tilespmem:s17+$0x10210]  }
0x4d: {  	v9 =	vld [tilespmem:s17+$0x10180]  }
0x4e: {  	v8 =	vld [tilespmem:s17+$0x10190]  }
0x4f: {  	v11 =	vld [tilespmem:s17+$0x10100]  }
0x50: {  	v10 =	vld [tilespmem:s17+$0x10110]  }
.Ltmp0:
0x51: {  	v17 =	vld [tilespmem:s17+$0x10080];
	(pc) =	sbr.rel @p0 .LBB2_3-.Ltmp0, $4  }
0x52: {  	v16 =	vld [tilespmem:s17+$0x10090]  }
0x53: {  	v19 =	vld [tilespmem:s17+$0x10000]  }
0x54: {  	v20 =	vld [tilespmem:s17+$0x10010]  }
0x55: {  	s18 =	sadd.s32 $0x1000, s18;
	v18 =	vld [tilespmem:s17+$0x10020]  }
0x56: {  	v21 =	vld [tilespmem:s17+$0x10030]  }
0x57: {  	v22 =	vld [tilespmem:s17+$0x100A0]  }
0x58: {  	v23 =	vld [tilespmem:s17+$0x100B0];
	v12 =	vadd.f32 v19, v12  }
0x59: {  	v42 =	vld [tilespmem:s17+$0x10120];
	v15 =	vadd.f32 v20, v15  }
0x5a: {  	v43 =	vld [tilespmem:s17+$0x10130];
	v14 =	vadd.f32 v18, v14;
	v12 =	vadd.f32 v17, v12  }
0x5b: {  	v44 =	vld [tilespmem:s17+$0x101A0];
	v13 =	vadd.f32 v21, v13;
	v15 =	vadd.f32 v16, v15  }
0x5c: {  	v45 =	vld [tilespmem:s17+$0x101B0];
	v14 =	vadd.f32 v22, v14;
	v11 =	vadd.f32 v11, v12  }
0x5d: {  	v47 =	vld [tilespmem:s17+$0x10220];
	v46 =	vadd.f32 v23, v13;
	v10 =	vadd.f32 v10, v15  }
0x5e: {  	v48 =	vld [tilespmem:s17+$0x10230];
	v14 =	vadd.f32 v42, v14;
	v9 =	vadd.f32 v9, v11  }
0x5f: {  	v50 =	vld [tilespmem:s17+$0x102A0];
	v49 =	vadd.f32 v43, v46;
	v8 =	vadd.f32 v8, v10  }
0x60: {  	v51 =	vld [tilespmem:s17+$0x102B0];
	v14 =	vadd.f32 v44, v14;
	v6 =	vadd.f32 v6, v9  }
0x61: {  	v53 =	vld [tilespmem:s17+$0x10320];
	v52 =	vadd.f32 v45, v49;
	v7 =	vadd.f32 v7, v8  }
0x62: {  	v54 =	vld [tilespmem:s17+$0x10330];
	v13 =	vadd.f32 v47, v14;
	v4 =	vadd.f32 v4, v6  }
0x63: {  	v56 =	vld [tilespmem:s17+$0x103A0];
	v55 =	vadd.f32 v48, v52;
	v5 =	vadd.f32 v5, v7  }
0x64: {  	v57 =	vld [tilespmem:s17+$0x103B0];
	v12 =	vadd.f32 v50, v13;
	v2 =	vadd.f32 v2, v4  }
0x65: {  	v58 =	vadd.f32 v51, v55;
	v3 =	vadd.f32 v3, v5  }
0x66: {  	v59 =	vadd.f32 v53, v12;
	v0 =	vadd.f32 v0, v2  }
0x67: {  	s31 =	sshll.u32 s16, $0x7;
	s16 =	sadd.s32 $0x1, s16;
	v60 =	vadd.f32 v54, v58;
	v1 =	vadd.f32 v1, v3  }
0x68: {  	p0 =	sne.s32 s16, $0x80;
	v61 =	vadd.f32 v56, v59;
	v0 =	vmul.f32 $4.999999890e-03, v0  }
.Ltmp1:
0x69: {  	s17 =	sand.u32 $0x3FFFFF80, s31;
	v2 =	vadd.f32 v57, v60;
	v1 =	vmul.f32 $4.999999890e-03, v1;
	(pc) =	sbr.rel @p0 .LBB2_2-.Ltmp1, $4  }
0x6a: {  	[tilespmem:s17+$0x16400] =	vst v0;
	v62 =	vmul.f32 $4.999999890e-03, v61  }
0x6b: {  	[tilespmem:s17+$0x16410] =	vst v1;
	v63 =	vmul.f32 $4.999999890e-03, v2  }
0x6c: {  	[tilespmem:s17+$0x16420] =	vst v62  }
0x6d: {  	[tilespmem:s17+$0x16430] =	vst v63  }
0x6e: {  	s15 =	sadd.s32 $0x1, s15  }
0x6f: {  	p0 =	sne.s32 s15, s6  }
.Ltmp2:
0x70: {  	_ = 	snop;
	(pc) =	sbr.rel @p0 .LBB2_1-.Ltmp2, $4  }
0x71: {  	[hbm4b:s5+s2] =	stream.linear.scatter [tilespmem:s14], [sflag:$0x2], $0x4000, $0x38;
	[tilespmem:$0x1A400] =	vst v63  }
0x72: {  	_ =	swait.ge [sflag:s7], $0x4000  }
0x73: {  	[sflag:s7] =	ssyncset.done $0x0  }
0x74: {  	[sflag:s7] =	ssyncadd.s32 $0xFFFFC000  }
0x75: {  	_ =	sfence.sel $0x180000  }
0x76: {  	[bflag:$0x0] =	sbarrier.arrive $0xFFFF  }
0x77: {  	p0 =	sne.s32 s1, $0x0;
	_ =	strace $0x90000047  }
0x78: {  	s0 =	sadd.s32 @!p0 $0x100000, s0;
	[bflag:$0x2] =	sbarrier.arrive $0xFFFF  }
0x79: {  	[sflag:s0] =	ssyncadd.tile.s32 @!p0 $0x1;
	_ =	shalt  }
.Lfunc_end2:
_tile_overlayer_lowered:
.L_overlay_start_2:
0x7a: {  	(tag) =	ssettag $0x2  }
0x7b: {  	s0 =	rddreg [dreg:$0x0];
	s2 =	stileid.u32  }
0x7c: {  	s1 =	rddreg [dreg:$0x1];
	p0 =	sne.s32 s2, $0x0  }
0x7d: {  	s3 =	rddreg [dreg:$0x2];
	[bflag:$0x3] =	sbarrier.arrive $0xFFFF;
	s2 =	simm.s32 @!p0 $0x1C02  }
0x7e: {  	[timem:s3], [sflag:s2] =	dma.local @!p0 [hbm:s0], s1  }
0x7f: {  	s0 =	simm.s32 @!p0 $0x2  }
0x80: {  	_ =	swait.ge @!p0 [sflag:s0], s1  }
0x81: {  	s1 =	ssub.s32 @!p0 $0x0, s1;
	[sflag:s0] =	ssyncset.done @!p0 $0x0  }
0x82: {  	[sflag:s0] =	ssyncadd.s32 @!p0 s1  }
0x83: {  	[bflag:$0x3] =	sbarrier.arrive $0xFFFF  }
0x84: {  	_ =	shalt  }

</sc_bundles>
